<compile_context>
chip_gen: v7x
topology: tpu7x:2x2x1
jax: 0.10.2.dev20260603
libtpu: 0.0.44.dev20260713+nightly
codegen_flags: <defaults>
</compile_context>

<pallas_src>
import jax
import jax.numpy as jnp
from jax import lax
from jax.experimental import pallas as pl
from jax.experimental.pallas import tpu as pltpu
from jax.experimental.pallas import tpu_sc as plsc

B = 16384
F = 26
V = 100000
D = 32
ND = F * D
H1 = 256
H2 = 128

NW = 32
QB = 4096
NQ = B // QB
XH = 8192
QPH = XH // QB


def _gather_body(xt_hbm, tab_hbm, out_hbm, xh0, xh1, oq0, oq1, rowbuf,
                 sem_row, sem_x0, sem_x1, sem_o0, sem_o1):
    w = lax.axis_index("s") * 2 + lax.axis_index("c")
    xh = (xh0, xh1)
    sx = (sem_x0, sem_x1)
    oq = (oq0, oq1)
    so = (sem_o0, sem_o1)

    def issue_row(r):
        pltpu.async_copy(tab_hbm.at[r], rowbuf, sem_row)

    def wait_row(r):
        pltpu.make_async_copy(tab_hbm.at[r], rowbuf, sem_row).wait()

    issue_row(w)
    pltpu.async_copy(xt_hbm.at[0, pl.ds(0, XH)], xh0, sem_x0)

    def field(f, carry):
        r = f * D + w
        fn = jnp.minimum(f + 1, F - 1)
        wait_row(r)
        pltpu.make_async_copy(xt_hbm.at[f, pl.ds(0, XH)], xh0, sem_x0).wait()

        odesc = {}
        xdesc = None
        for q in range(NQ):
            if q == 0:
                xdesc = pltpu.async_copy(
                    xt_hbm.at[f, pl.ds(XH, XH)], xh1, sem_x1)
            if q == QPH:
                xdesc.wait()
            if q >= 2:
                odesc[q - 2].wait()

            src = xh[q // QPH]
            soff = (q % QPH) * QB

            @plsc.parallel_loop(0, QB // 16, unroll=8)
            def g16(i):
                off = pl.multiple_of(soff + i * 16, 16)
                idx = src[pl.ds(off, 16)]
                oq[q % 2][pl.ds(pl.multiple_of(i * 16, 16), 16)] = (
                    plsc.load_gather(rowbuf, [idx]))

            odesc[q] = pltpu.async_copy(
                oq[q % 2], out_hbm.at[r, pl.ds(q * QB, QB)], so[q % 2])
            if q == QPH - 1:
                pltpu.async_copy(xt_hbm.at[fn, pl.ds(0, XH)], xh0, sem_x0)

        issue_row(fn * D + w)
        odesc[NQ - 2].wait()
        odesc[NQ - 1].wait()
        return carry

    lax.fori_loop(0, F, field, 0)
    wait_row((F - 1) * D + w)
    pltpu.make_async_copy(xt_hbm.at[F - 1, pl.ds(0, XH)], xh0, sem_x0).wait()


_gather_cache = []


def _gather(xt, tab):
    if not _gather_cache:
        _gather_cache.append(pl.kernel(
            _gather_body,
            out_type=jax.ShapeDtypeStruct((ND, B), jnp.float32),
            mesh=plsc.VectorSubcoreMesh(core_axis_name="c", subcore_axis_name="s"),
            scratch_types=[
                pltpu.VMEM((XH,), jnp.int32),
                pltpu.VMEM((XH,), jnp.int32),
                pltpu.VMEM((QB,), jnp.float32),
                pltpu.VMEM((QB,), jnp.float32),
                pltpu.VMEM((V,), jnp.float32),
                pltpu.SemaphoreType.DMA,
                pltpu.SemaphoreType.DMA,
                pltpu.SemaphoreType.DMA,
                pltpu.SemaphoreType.DMA,
                pltpu.SemaphoreType.DMA,
            ],
            compiler_params=pltpu.CompilerParams(
                use_tc_tiling_on_sc=True, needs_layout_passes=False),
        ))
    return _gather_cache[0](xt, tab)


BK = 2048


def _mlp_body(e_ref, w1t_ref, b1_ref, w2t_ref, b2_ref, w3_ref, b3_ref, o_ref):
    e = e_ref[...]
    h = jnp.dot(w1t_ref[...], e, preferred_element_type=jnp.float32)
    h = jnp.maximum(h + b1_ref[...][:, None], 0.0)
    h = jnp.dot(w2t_ref[...], h, preferred_element_type=jnp.float32)
    h = jnp.maximum(h + b2_ref[...][:, None], 0.0)
    z = jnp.sum(h * w3_ref[...][:, None], axis=0) + b3_ref[...]
    o_ref[...] = 1.0 / (1.0 + jnp.exp(-z))


_mlp = pl.pallas_call(
    _mlp_body,
    grid=(B // BK,),
    in_specs=[
        pl.BlockSpec((ND, BK), lambda i: (0, i)),
        pl.BlockSpec((H1, ND), lambda i: (0, 0)),
        pl.BlockSpec((H1,), lambda i: (0,)),
        pl.BlockSpec((H2, H1), lambda i: (0, 0)),
        pl.BlockSpec((H2,), lambda i: (0,)),
        pl.BlockSpec((H2,), lambda i: (0,)),
        pl.BlockSpec((1,), lambda i: (0,)),
    ],
    out_specs=pl.BlockSpec((BK,), lambda i: (i,)),
    out_shape=jax.ShapeDtypeStruct((B,), jnp.float32),
    compiler_params=pltpu.CompilerParams(
        dimension_semantics=("parallel",),
    ),
)


def kernel(x, tables, W1, b1, W2, b2, W3, b3):
    xt = x.astype(jnp.int32).T
    tab = tables.transpose(0, 2, 1).reshape(ND, V)
    embT = _gather(xt, tab)
    return _mlp(embT, W1.T, b1, W2.T, b2, W3.reshape(H2), b3)

# --- scband reference (transcript-rebuilt; emitter-appended) ---
"""Pipeline reference for scband-emb-cls-19774029431536 (READ-ONLY COPY).

The authoritative reference and input builder live on the scoring server;
editing this copy changes nothing except your own understanding.
"""

import jax, jax.numpy as jnp
import numpy as np

B = 16384
F = 26
V = 100000
D = 32
N_DIMS = F * D  # 832
H1, H2 = 256, 128

def setup_inputs(seed: int = 0) -> dict:
    key = jax.random.key(seed)
    k_x, k_t, k1, k2, k3 = jax.random.split(key, 5)
    x = jax.random.randint(k_x, (B, F), 0, V, dtype=jnp.int64)
    tables = jax.random.normal(k_t, (F, V, D), dtype=jnp.float32) * 0.01
    W1 = jax.random.normal(k1, (N_DIMS, H1), dtype=jnp.float32) * (1.0 / np.sqrt(N_DIMS))
    b1 = jnp.zeros((H1,), dtype=jnp.float32)
    W2 = jax.random.normal(k2, (H1, H2), dtype=jnp.float32) * (1.0 / np.sqrt(H1))
    b2 = jnp.zeros((H2,), dtype=jnp.float32)
    W3 = jax.random.normal(k3, (H2, 1), dtype=jnp.float32) * (1.0 / np.sqrt(H2))
    b3 = jnp.zeros((1,), dtype=jnp.float32)
    return {"x": x, "tables": tables, "W1": W1, "b1": b1, "W2": W2, "b2": b2, "W3": W3, "b3": b3}

def reference(x, tables, W1, b1, W2, b2, W3, b3):
    # EmbeddingLayer: per-field table lookup, squeeze_dim=True -> concat to [B, F*D]
    field_idx = jnp.arange(F)[None, :]              # [1, F]
    emb = tables[field_idx, x]                      # gather -> [B, F, D]
    embedded = emb.reshape(B, N_DIMS)               # [B, F*D]
    # MLP with output layer (point_output=True -> sigmoid head, n_classes=1)
    h = jax.nn.relu(embedded @ W1 + b1)
    h = jax.nn.relu(h @ W2 + b2)
    p = jax.nn.sigmoid(h @ W3 + b3)                 # [B, 1]
    return p.squeeze(1)                             # [B]

if __name__ == "__main__":
    import jax
    _d = setup_inputs()
    print(jax.jit(kernel)(*tuple(_d.values())))

</pallas_src>

<mosaic_0001>
#map = affine_map<(d0, d1) -> (0, 0)>
module attributes {stable_mosaic.version = 14 : i64} {
  func.func @_gather_body(%arg0: i32, %arg1: i32, %arg2: memref<26x16384xi32, #tpu.memory_space<hbm>>, %arg3: memref<832x100000xf32, #tpu.memory_space<hbm>>, %arg4: memref<832x16384xf32, #tpu.memory_space<hbm>>, %arg5: memref<8192xi32, #tpu.memory_space<vmem>>, %arg6: memref<8192xi32, #tpu.memory_space<vmem>>, %arg7: memref<4096xf32, #tpu.memory_space<vmem>>, %arg8: memref<4096xf32, #tpu.memory_space<vmem>>, %arg9: memref<100000xf32, #tpu.memory_space<vmem>>, %arg10: memref<!tpu.dma_semaphore, #tpu.memory_space<semaphore_mem>>, %arg11: memref<!tpu.dma_semaphore, #tpu.memory_space<semaphore_mem>>, %arg12: memref<!tpu.dma_semaphore, #tpu.memory_space<semaphore_mem>>, %arg13: memref<!tpu.dma_semaphore, #tpu.memory_space<semaphore_mem>>, %arg14: memref<!tpu.dma_semaphore, #tpu.memory_space<semaphore_mem>>) attributes {dimension_semantics = [#tpu.dimension_semantics<core_parallel>, #tpu.dimension_semantics<subcore_parallel>], iteration_bounds = array<i64: 2, 16>, scalar_prefetch = 0 : i64, scratch_operands = 10 : i64, tpu.core_type = #tpu.core_type<sc_vector_subcore>, window_params = [{transform_indices = #map}, {transform_indices = #map}, {transform_indices = #map}]} {
    %mul3A = arith.constant 2 : i32
    %mul3A_0 = arith.muli %arg1, %mul3A : i32
    %add3A = arith.addi %mul3A_0, %arg0 : i32
    %dma_start3A = arith.constant 0 : i32
    %dma_start3A_1 = tpu.memref_slice %arg3[%add3A, %dma_start3A] : memref<832x100000xf32, #tpu.memory_space<hbm>> -> memref<1x100000xf32, #tpu.memory_space<hbm>>
    %dma_start3A_2 = tpu.memref_squeeze %dma_start3A_1 : memref<1x100000xf32, #tpu.memory_space<hbm>> -> memref<100000xf32, #tpu.memory_space<hbm>>
    %dma_start3A_3 = arith.constant 0 : i32
    %dma_start3A_4 = tpu.memref_slice %arg3[%add3A, %dma_start3A_3] : memref<832x100000xf32, #tpu.memory_space<hbm>> -> memref<1x100000xf32, #tpu.memory_space<hbm>>
    %dma_start3A_5 = tpu.memref_squeeze %dma_start3A_4 : memref<1x100000xf32, #tpu.memory_space<hbm>> -> memref<100000xf32, #tpu.memory_space<hbm>>
    tpu.enqueue_dma source(%dma_start3A_5 : memref<100000xf32, #tpu.memory_space<hbm>>) target(%arg9 : memref<100000xf32, #tpu.memory_space<vmem>>) target_semaphore(%arg10 : memref<!tpu.dma_semaphore, #tpu.memory_space<semaphore_mem>>)
    %dma_start3A_6 = arith.constant 0 : i32
    %dma_start3A_7 = arith.constant 0 : i32
    %dma_start3A_8 = tpu.memref_slice %arg2[%dma_start3A_6, %dma_start3A_7] : memref<26x16384xi32, #tpu.memory_space<hbm>> -> memref<1x8192xi32, #tpu.memory_space<hbm>>
    %dma_start3A_9 = tpu.memref_squeeze %dma_start3A_8 : memref<1x8192xi32, #tpu.memory_space<hbm>> -> memref<8192xi32, #tpu.memory_space<hbm>>
    %dma_start3A_10 = arith.constant 0 : i32
    %dma_start3A_11 = tpu.memref_slice %arg2[%dma_start3A_6, %dma_start3A_10] : memref<26x16384xi32, #tpu.memory_space<hbm>> -> memref<1x8192xi32, #tpu.memory_space<hbm>>
    %dma_start3A_12 = tpu.memref_squeeze %dma_start3A_11 : memref<1x8192xi32, #tpu.memory_space<hbm>> -> memref<8192xi32, #tpu.memory_space<hbm>>
    tpu.enqueue_dma source(%dma_start3A_12 : memref<8192xi32, #tpu.memory_space<hbm>>) target(%arg5 : memref<8192xi32, #tpu.memory_space<vmem>>) target_semaphore(%arg11 : memref<!tpu.dma_semaphore, #tpu.memory_space<semaphore_mem>>)
    %scan3A = arith.constant 0 : i32
    %scan3A_13 = arith.constant 0 : i32
    %scan3A_14 = arith.constant 26 : i32
    %scan3A_15 = arith.addi %scan3A_13, %scan3A_14 : i32
    %scan3A_16 = arith.constant 1 : i32
    scf.for %scan3A_32 = %scan3A_13 to %scan3A_15 step %scan3A_16  : i32 {
      %mul3A_33 = arith.constant 32 : i32
      %mul3A_34 = arith.muli %scan3A_32, %mul3A_33 : i32
      %add3A_35 = arith.addi %mul3A_34, %add3A : i32
      %add3A_36 = arith.constant 1 : i32
      %add3A_37 = arith.addi %scan3A_32, %add3A_36 : i32
      %min3A = arith.constant 25 : i32
      %min3A_38 = arith.minsi %add3A_37, %min3A : i32
      %dma_wait3A_39 = arith.constant 0 : i32
      %dma_wait3A_40 = tpu.memref_slice %arg3[%add3A_35, %dma_wait3A_39] : memref<832x100000xf32, #tpu.memory_space<hbm>> -> memref<1x100000xf32, #tpu.memory_space<hbm>>
      %dma_wait3A_41 = tpu.memref_squeeze %dma_wait3A_40 : memref<1x100000xf32, #tpu.memory_space<hbm>> -> memref<100000xf32, #tpu.memory_space<hbm>>
      %dma_wait3A_42 = arith.constant 0 : i32
      %dma_wait3A_43 = tpu.memref_slice %arg3[%add3A_35, %dma_wait3A_42] : memref<832x100000xf32, #tpu.memory_space<hbm>> -> memref<1x100000xf32, #tpu.memory_space<hbm>>
      %dma_wait3A_44 = tpu.memref_squeeze %dma_wait3A_43 : memref<1x100000xf32, #tpu.memory_space<hbm>> -> memref<100000xf32, #tpu.memory_space<hbm>>
      tpu.wait_dma2 semaphore(%arg10 : memref<!tpu.dma_semaphore, #tpu.memory_space<semaphore_mem>>) src(%dma_wait3A_44 : memref<100000xf32, #tpu.memory_space<hbm>>) dst(%arg9 : memref<100000xf32, #tpu.memory_space<vmem>>)
      %dma_wait3A_45 = arith.constant 0 : i32
      %dma_wait3A_46 = tpu.memref_slice %arg2[%scan3A_32, %dma_wait3A_45] : memref<26x16384xi32, #tpu.memory_space<hbm>> -> memref<1x8192xi32, #tpu.memory_space<hbm>>
      %dma_wait3A_47 = tpu.memref_squeeze %dma_wait3A_46 : memref<1x8192xi32, #tpu.memory_space<hbm>> -> memref<8192xi32, #tpu.memory_space<hbm>>
      %dma_wait3A_48 = arith.constant 0 : i32
      %dma_wait3A_49 = tpu.memref_slice %arg2[%scan3A_32, %dma_wait3A_48] : memref<26x16384xi32, #tpu.memory_space<hbm>> -> memref<1x8192xi32, #tpu.memory_space<hbm>>
      %dma_wait3A_50 = tpu.memref_squeeze %dma_wait3A_49 : memref<1x8192xi32, #tpu.memory_space<hbm>> -> memref<8192xi32, #tpu.memory_space<hbm>>
      tpu.wait_dma2 semaphore(%arg11 : memref<!tpu.dma_semaphore, #tpu.memory_space<semaphore_mem>>) src(%dma_wait3A_50 : memref<8192xi32, #tpu.memory_space<hbm>>) dst(%arg5 : memref<8192xi32, #tpu.memory_space<vmem>>)
      %dma_start3A_51 = arith.constant 8192 : i32
      %dma_start3A_52 = tpu.memref_slice %arg2[%scan3A_32, %dma_start3A_51] : memref<26x16384xi32, #tpu.memory_space<hbm>> -> memref<1x8192xi32, #tpu.memory_space<hbm>>
      %dma_start3A_53 = tpu.memref_squeeze %dma_start3A_52 : memref<1x8192xi32, #tpu.memory_space<hbm>> -> memref<8192xi32, #tpu.memory_space<hbm>>
      %dma_start3A_54 = arith.constant 8192 : i32
      %dma_start3A_55 = tpu.memref_slice %arg2[%scan3A_32, %dma_start3A_54] : memref<26x16384xi32, #tpu.memory_space<hbm>> -> memref<1x8192xi32, #tpu.memory_space<hbm>>
      %dma_start3A_56 = tpu.memref_squeeze %dma_start3A_55 : memref<1x8192xi32, #tpu.memory_space<hbm>> -> memref<8192xi32, #tpu.memory_space<hbm>>
      tpu.enqueue_dma source(%dma_start3A_56 : memref<8192xi32, #tpu.memory_space<hbm>>) target(%arg6 : memref<8192xi32, #tpu.memory_space<vmem>>) target_semaphore(%arg12 : memref<!tpu.dma_semaphore, #tpu.memory_space<semaphore_mem>>)
      %parallel_loop3A = arith.constant 0 : i32
      %parallel_loop3A_57 = arith.constant 256 : i32
      %parallel_loop3A_58 = arith.constant 1 : i32
      scf.for %parallel_loop3A_137 = %parallel_loop3A to %parallel_loop3A_57 step %parallel_loop3A_58  : i32 {
        %parallel_loop3A_138 = arith.constant 16 : i32
        %parallel_loop3A_139 = arith.muli %parallel_loop3A_137, %parallel_loop3A_138 : i32
        %parallel_loop3A_140 = arith.constant 0 : i32
        %parallel_loop3A_141 = arith.addi %parallel_loop3A_140, %parallel_loop3A_139 : i32
        %parallel_loop3A_142 = tpu.assume_multiple %parallel_loop3A_141, 16 : i32
        %parallel_loop3A_143 = arith.index_cast %parallel_loop3A_142 : i32 to index
        %parallel_loop3A_144 = tpu.vector_load %arg5[%parallel_loop3A_143] {strides = array<i32>} : memref<8192xi32, #tpu.memory_space<vmem>>, vector<16xi32>,
        %parallel_loop3A_145 = tpu.vector_load_idx %arg9[%parallel_loop3A_144] : memref<100000xf32, #tpu.memory_space<vmem>>[vector<16xi32>], vector<16xf32>,
        %parallel_loop3A_146 = arith.constant 16 : i32
        %parallel_loop3A_147 = arith.muli %parallel_loop3A_137, %parallel_loop3A_146 : i32
        %parallel_loop3A_148 = tpu.assume_multiple %parallel_loop3A_147, 16 : i32
        %parallel_loop3A_149 = arith.index_cast %parallel_loop3A_148 : i32 to index
        %parallel_loop3A_150 = tpu.vector_load %arg7[%parallel_loop3A_149] {strides = array<i32>} : memref<4096xf32, #tpu.memory_space<vmem>>, vector<16xf32>,
        tpu.vector_store %arg7[%parallel_loop3A_149], %parallel_loop3A_145 {strides = array<i32>} : memref<4096xf32, #tpu.memory_space<vmem>>, vector<16xf32>,
      } {sc.loop_unroll_factor = 8 : i64, sc.parallel_access}
      %dma_start3A_59 = arith.constant 0 : i32
      %dma_start3A_60 = tpu.memref_slice %arg4[%add3A_35, %dma_start3A_59] : memref<832x16384xf32, #tpu.memory_space<hbm>> -> memref<1x4096xf32, #tpu.memory_space<hbm>>
      %dma_start3A_61 = tpu.memref_squeeze %dma_start3A_60 : memref<1x4096xf32, #tpu.memory_space<hbm>> -> memref<4096xf32, #tpu.memory_space<hbm>>
      %dma_start3A_62 = arith.constant 0 : i32
      %dma_start3A_63 = tpu.memref_slice %arg4[%add3A_35, %dma_start3A_62] : memref<832x16384xf32, #tpu.memory_space<hbm>> -> memref<1x4096xf32, #tpu.memory_space<hbm>>
      %dma_start3A_64 = tpu.memref_squeeze %dma_start3A_63 : memref<1x4096xf32, #tpu.memory_space<hbm>> -> memref<4096xf32, #tpu.memory_space<hbm>>
      tpu.enqueue_dma source(%arg7 : memref<4096xf32, #tpu.memory_space<vmem>>) target(%dma_start3A_64 : memref<4096xf32, #tpu.memory_space<hbm>>) target_semaphore(%arg13 : memref<!tpu.dma_semaphore, #tpu.memory_space<semaphore_mem>>)
      %parallel_loop3A_65 = arith.constant 0 : i32
      %parallel_loop3A_66 = arith.constant 256 : i32
      %parallel_loop3A_67 = arith.constant 1 : i32
      scf.for %parallel_loop3A_137 = %parallel_loop3A_65 to %parallel_loop3A_66 step %parallel_loop3A_67  : i32 {
        %parallel_loop3A_138 = arith.constant 16 : i32
        %parallel_loop3A_139 = arith.muli %parallel_loop3A_137, %parallel_loop3A_138 : i32
        %parallel_loop3A_140 = arith.constant 4096 : i32
        %parallel_loop3A_141 = arith.addi %parallel_loop3A_140, %parallel_loop3A_139 : i32
        %parallel_loop3A_142 = tpu.assume_multiple %parallel_loop3A_141, 16 : i32
        %parallel_loop3A_143 = arith.index_cast %parallel_loop3A_142 : i32 to index
        %parallel_loop3A_144 = tpu.vector_load %arg5[%parallel_loop3A_143] {strides = array<i32>} : memref<8192xi32, #tpu.memory_space<vmem>>, vector<16xi32>,
        %parallel_loop3A_145 = tpu.vector_load_idx %arg9[%parallel_loop3A_144] : memref<100000xf32, #tpu.memory_space<vmem>>[vector<16xi32>], vector<16xf32>,
        %parallel_loop3A_146 = arith.constant 16 : i32
        %parallel_loop3A_147 = arith.muli %parallel_loop3A_137, %parallel_loop3A_146 : i32
        %parallel_loop3A_148 = tpu.assume_multiple %parallel_loop3A_147, 16 : i32
        %parallel_loop3A_149 = arith.index_cast %parallel_loop3A_148 : i32 to index
        %parallel_loop3A_150 = tpu.vector_load %arg8[%parallel_loop3A_149] {strides = array<i32>} : memref<4096xf32, #tpu.memory_space<vmem>>, vector<16xf32>,
        tpu.vector_store %arg8[%parallel_loop3A_149], %parallel_loop3A_145 {strides = array<i32>} : memref<4096xf32, #tpu.memory_space<vmem>>, vector<16xf32>,
      } {sc.loop_unroll_factor = 8 : i64, sc.parallel_access}
      %dma_start3A_68 = arith.constant 4096 : i32
      %dma_start3A_69 = tpu.memref_slice %arg4[%add3A_35, %dma_start3A_68] : memref<832x16384xf32, #tpu.memory_space<hbm>> -> memref<1x4096xf32, #tpu.memory_space<hbm>>
      %dma_start3A_70 = tpu.memref_squeeze %dma_start3A_69 : memref<1x4096xf32, #tpu.memory_space<hbm>> -> memref<4096xf32, #tpu.memory_space<hbm>>
      %dma_start3A_71 = arith.constant 4096 : i32
      %dma_start3A_72 = tpu.memref_slice %arg4[%add3A_35, %dma_start3A_71] : memref<832x16384xf32, #tpu.memory_space<hbm>> -> memref<1x4096xf32, #tpu.memory_space<hbm>>
      %dma_start3A_73 = tpu.memref_squeeze %dma_start3A_72 : memref<1x4096xf32, #tpu.memory_space<hbm>> -> memref<4096xf32, #tpu.memory_space<hbm>>
      tpu.enqueue_dma source(%arg8 : memref<4096xf32, #tpu.memory_space<vmem>>) target(%dma_start3A_73 : memref<4096xf32, #tpu.memory_space<hbm>>) target_semaphore(%arg14 : memref<!tpu.dma_semaphore, #tpu.memory_space<semaphore_mem>>)
      %dma_start3A_74 = arith.constant 0 : i32
      %dma_start3A_75 = tpu.memref_slice %arg2[%min3A_38, %dma_start3A_74] : memref<26x16384xi32, #tpu.memory_space<hbm>> -> memref<1x8192xi32, #tpu.memory_space<hbm>>
      %dma_start3A_76 = tpu.memref_squeeze %dma_start3A_75 : memref<1x8192xi32, #tpu.memory_space<hbm>> -> memref<8192xi32, #tpu.memory_space<hbm>>
      %dma_start3A_77 = arith.constant 0 : i32
      %dma_start3A_78 = tpu.memref_slice %arg2[%min3A_38, %dma_start3A_77] : memref<26x16384xi32, #tpu.memory_space<hbm>> -> memref<1x8192xi32, #tpu.memory_space<hbm>>
      %dma_start3A_79 = tpu.memref_squeeze %dma_start3A_78 : memref<1x8192xi32, #tpu.memory_space<hbm>> -> memref<8192xi32, #tpu.memory_space<hbm>>
      tpu.enqueue_dma source(%dma_start3A_79 : memref<8192xi32, #tpu.memory_space<hbm>>) target(%arg5 : memref<8192xi32, #tpu.memory_space<vmem>>) target_semaphore(%arg11 : memref<!tpu.dma_semaphore, #tpu.memory_space<semaphore_mem>>)
      %dma_wait3A_80 = arith.constant 8192 : i32
      %dma_wait3A_81 = tpu.memref_slice %arg2[%scan3A_32, %dma_wait3A_80] : memref<26x16384xi32, #tpu.memory_space<hbm>> -> memref<1x8192xi32, #tpu.memory_space<hbm>>
      %dma_wait3A_82 = tpu.memref_squeeze %dma_wait3A_81 : memref<1x8192xi32, #tpu.memory_space<hbm>> -> memref<8192xi32, #tpu.memory_space<hbm>>
      %dma_wait3A_83 = arith.constant 8192 : i32
      %dma_wait3A_84 = tpu.memref_slice %arg2[%scan3A_32, %dma_wait3A_83] : memref<26x16384xi32, #tpu.memory_space<hbm>> -> memref<1x8192xi32, #tpu.memory_space<hbm>>
      %dma_wait3A_85 = tpu.memref_squeeze %dma_wait3A_84 : memref<1x8192xi32, #tpu.memory_space<hbm>> -> memref<8192xi32, #tpu.memory_space<hbm>>
      tpu.wait_dma2 semaphore(%arg12 : memref<!tpu.dma_semaphore, #tpu.memory_space<semaphore_mem>>) src(%dma_wait3A_85 : memref<8192xi32, #tpu.memory_space<hbm>>) dst(%arg6 : memref<8192xi32, #tpu.memory_space<vmem>>)
      %dma_wait3A_86 = arith.constant 0 : i32
      %dma_wait3A_87 = tpu.memref_slice %arg4[%add3A_35, %dma_wait3A_86] : memref<832x16384xf32, #tpu.memory_space<hbm>> -> memref<1x4096xf32, #tpu.memory_space<hbm>>
      %dma_wait3A_88 = tpu.memref_squeeze %dma_wait3A_87 : memref<1x4096xf32, #tpu.memory_space<hbm>> -> memref<4096xf32, #tpu.memory_space<hbm>>
      %dma_wait3A_89 = arith.constant 0 : i32
      %dma_wait3A_90 = tpu.memref_slice %arg4[%add3A_35, %dma_wait3A_89] : memref<832x16384xf32, #tpu.memory_space<hbm>> -> memref<1x4096xf32, #tpu.memory_space<hbm>>
      %dma_wait3A_91 = tpu.memref_squeeze %dma_wait3A_90 : memref<1x4096xf32, #tpu.memory_space<hbm>> -> memref<4096xf32, #tpu.memory_space<hbm>>
      tpu.wait_dma2 semaphore(%arg13 : memref<!tpu.dma_semaphore, #tpu.memory_space<semaphore_mem>>) src(%arg7 : memref<4096xf32, #tpu.memory_space<vmem>>) dst(%dma_wait3A_91 : memref<4096xf32, #tpu.memory_space<hbm>>)
      %parallel_loop3A_92 = arith.constant 0 : i32
      %parallel_loop3A_93 = arith.constant 256 : i32
      %parallel_loop3A_94 = arith.constant 1 : i32
      scf.for %parallel_loop3A_137 = %parallel_loop3A_92 to %parallel_loop3A_93 step %parallel_loop3A_94  : i32 {
        %parallel_loop3A_138 = arith.constant 16 : i32
        %parallel_loop3A_139 = arith.muli %parallel_loop3A_137, %parallel_loop3A_138 : i32
        %parallel_loop3A_140 = arith.constant 0 : i32
        %parallel_loop3A_141 = arith.addi %parallel_loop3A_140, %parallel_loop3A_139 : i32
        %parallel_loop3A_142 = tpu.assume_multiple %parallel_loop3A_141, 16 : i32
        %parallel_loop3A_143 = arith.index_cast %parallel_loop3A_142 : i32 to index
        %parallel_loop3A_144 = tpu.vector_load %arg6[%parallel_loop3A_143] {strides = array<i32>} : memref<8192xi32, #tpu.memory_space<vmem>>, vector<16xi32>,
        %parallel_loop3A_145 = tpu.vector_load_idx %arg9[%parallel_loop3A_144] : memref<100000xf32, #tpu.memory_space<vmem>>[vector<16xi32>], vector<16xf32>,
        %parallel_loop3A_146 = arith.constant 16 : i32
        %parallel_loop3A_147 = arith.muli %parallel_loop3A_137, %parallel_loop3A_146 : i32
        %parallel_loop3A_148 = tpu.assume_multiple %parallel_loop3A_147, 16 : i32
        %parallel_loop3A_149 = arith.index_cast %parallel_loop3A_148 : i32 to index
        %parallel_loop3A_150 = tpu.vector_load %arg7[%parallel_loop3A_149] {strides = array<i32>} : memref<4096xf32, #tpu.memory_space<vmem>>, vector<16xf32>,
        tpu.vector_store %arg7[%parallel_loop3A_149], %parallel_loop3A_145 {strides = array<i32>} : memref<4096xf32, #tpu.memory_space<vmem>>, vector<16xf32>,
      } {sc.loop_unroll_factor = 8 : i64, sc.parallel_access}
      %dma_start3A_95 = arith.constant 8192 : i32
      %dma_start3A_96 = tpu.memref_slice %arg4[%add3A_35, %dma_start3A_95] : memref<832x16384xf32, #tpu.memory_space<hbm>> -> memref<1x4096xf32, #tpu.memory_space<hbm>>
      %dma_start3A_97 = tpu.memref_squeeze %dma_start3A_96 : memref<1x4096xf32, #tpu.memory_space<hbm>> -> memref<4096xf32, #tpu.memory_space<hbm>>
      %dma_start3A_98 = arith.constant 8192 : i32
      %dma_start3A_99 = tpu.memref_slice %arg4[%add3A_35, %dma_start3A_98] : memref<832x16384xf32, #tpu.memory_space<hbm>> -> memref<1x4096xf32, #tpu.memory_space<hbm>>
      %dma_start3A_100 = tpu.memref_squeeze %dma_start3A_99 : memref<1x4096xf32, #tpu.memory_space<hbm>> -> memref<4096xf32, #tpu.memory_space<hbm>>
      tpu.enqueue_dma source(%arg7 : memref<4096xf32, #tpu.memory_space<vmem>>) target(%dma_start3A_100 : memref<4096xf32, #tpu.memory_space<hbm>>) target_semaphore(%arg13 : memref<!tpu.dma_semaphore, #tpu.memory_space<semaphore_mem>>)
      %dma_wait3A_101 = arith.constant 4096 : i32
      %dma_wait3A_102 = tpu.memref_slice %arg4[%add3A_35, %dma_wait3A_101] : memref<832x16384xf32, #tpu.memory_space<hbm>> -> memref<1x4096xf32, #tpu.memory_space<hbm>>
      %dma_wait3A_103 = tpu.memref_squeeze %dma_wait3A_102 : memref<1x4096xf32, #tpu.memory_space<hbm>> -> memref<4096xf32, #tpu.memory_space<hbm>>
      %dma_wait3A_104 = arith.constant 4096 : i32
      %dma_wait3A_105 = tpu.memref_slice %arg4[%add3A_35, %dma_wait3A_104] : memref<832x16384xf32, #tpu.memory_space<hbm>> -> memref<1x4096xf32, #tpu.memory_space<hbm>>
      %dma_wait3A_106 = tpu.memref_squeeze %dma_wait3A_105 : memref<1x4096xf32, #tpu.memory_space<hbm>> -> memref<4096xf32, #tpu.memory_space<hbm>>
      tpu.wait_dma2 semaphore(%arg14 : memref<!tpu.dma_semaphore, #tpu.memory_space<semaphore_mem>>) src(%arg8 : memref<4096xf32, #tpu.memory_space<vmem>>) dst(%dma_wait3A_106 : memref<4096xf32, #tpu.memory_space<hbm>>)
      %parallel_loop3A_107 = arith.constant 0 : i32
      %parallel_loop3A_108 = arith.constant 256 : i32
      %parallel_loop3A_109 = arith.constant 1 : i32
      scf.for %parallel_loop3A_137 = %parallel_loop3A_107 to %parallel_loop3A_108 step %parallel_loop3A_109  : i32 {
        %parallel_loop3A_138 = arith.constant 16 : i32
        %parallel_loop3A_139 = arith.muli %parallel_loop3A_137, %parallel_loop3A_138 : i32
        %parallel_loop3A_140 = arith.constant 4096 : i32
        %parallel_loop3A_141 = arith.addi %parallel_loop3A_140, %parallel_loop3A_139 : i32
        %parallel_loop3A_142 = tpu.assume_multiple %parallel_loop3A_141, 16 : i32
        %parallel_loop3A_143 = arith.index_cast %parallel_loop3A_142 : i32 to index
        %parallel_loop3A_144 = tpu.vector_load %arg6[%parallel_loop3A_143] {strides = array<i32>} : memref<8192xi32, #tpu.memory_space<vmem>>, vector<16xi32>,
        %parallel_loop3A_145 = tpu.vector_load_idx %arg9[%parallel_loop3A_144] : memref<100000xf32, #tpu.memory_space<vmem>>[vector<16xi32>], vector<16xf32>,
        %parallel_loop3A_146 = arith.constant 16 : i32
        %parallel_loop3A_147 = arith.muli %parallel_loop3A_137, %parallel_loop3A_146 : i32
        %parallel_loop3A_148 = tpu.assume_multiple %parallel_loop3A_147, 16 : i32
        %parallel_loop3A_149 = arith.index_cast %parallel_loop3A_148 : i32 to index
        %parallel_loop3A_150 = tpu.vector_load %arg8[%parallel_loop3A_149] {strides = array<i32>} : memref<4096xf32, #tpu.memory_space<vmem>>, vector<16xf32>,
        tpu.vector_store %arg8[%parallel_loop3A_149], %parallel_loop3A_145 {strides = array<i32>} : memref<4096xf32, #tpu.memory_space<vmem>>, vector<16xf32>,
      } {sc.loop_unroll_factor = 8 : i64, sc.parallel_access}
      %dma_start3A_110 = arith.constant 12288 : i32
      %dma_start3A_111 = tpu.memref_slice %arg4[%add3A_35, %dma_start3A_110] : memref<832x16384xf32, #tpu.memory_space<hbm>> -> memref<1x4096xf32, #tpu.memory_space<hbm>>
      %dma_start3A_112 = tpu.memref_squeeze %dma_start3A_111 : memref<1x4096xf32, #tpu.memory_space<hbm>> -> memref<4096xf32, #tpu.memory_space<hbm>>
      %dma_start3A_113 = arith.constant 12288 : i32
      %dma_start3A_114 = tpu.memref_slice %arg4[%add3A_35, %dma_start3A_113] : memref<832x16384xf32, #tpu.memory_space<hbm>> -> memref<1x4096xf32, #tpu.memory_space<hbm>>
      %dma_start3A_115 = tpu.memref_squeeze %dma_start3A_114 : memref<1x4096xf32, #tpu.memory_space<hbm>> -> memref<4096xf32, #tpu.memory_space<hbm>>
      tpu.enqueue_dma source(%arg8 : memref<4096xf32, #tpu.memory_space<vmem>>) target(%dma_start3A_115 : memref<4096xf32, #tpu.memory_space<hbm>>) target_semaphore(%arg14 : memref<!tpu.dma_semaphore, #tpu.memory_space<semaphore_mem>>)
      %mul3A_116 = arith.constant 32 : i32
      %mul3A_117 = arith.muli %min3A_38, %mul3A_116 : i32
      %add3A_118 = arith.addi %mul3A_117, %add3A : i32
      %dma_start3A_119 = arith.constant 0 : i32
      %dma_start3A_120 = tpu.memref_slice %arg3[%add3A_118, %dma_start3A_119] : memref<832x100000xf32, #tpu.memory_space<hbm>> -> memref<1x100000xf32, #tpu.memory_space<hbm>>
      %dma_start3A_121 = tpu.memref_squeeze %dma_start3A_120 : memref<1x100000xf32, #tpu.memory_space<hbm>> -> memref<100000xf32, #tpu.memory_space<hbm>>
      %dma_start3A_122 = arith.constant 0 : i32
      %dma_start3A_123 = tpu.memref_slice %arg3[%add3A_118, %dma_start3A_122] : memref<832x100000xf32, #tpu.memory_space<hbm>> -> memref<1x100000xf32, #tpu.memory_space<hbm>>
      %dma_start3A_124 = tpu.memref_squeeze %dma_start3A_123 : memref<1x100000xf32, #tpu.memory_space<hbm>> -> memref<100000xf32, #tpu.memory_space<hbm>>
      tpu.enqueue_dma source(%dma_start3A_124 : memref<100000xf32, #tpu.memory_space<hbm>>) target(%arg9 : memref<100000xf32, #tpu.memory_space<vmem>>) target_semaphore(%arg10 : memref<!tpu.dma_semaphore, #tpu.memory_space<semaphore_mem>>)
      %dma_wait3A_125 = arith.constant 8192 : i32
      %dma_wait3A_126 = tpu.memref_slice %arg4[%add3A_35, %dma_wait3A_125] : memref<832x16384xf32, #tpu.memory_space<hbm>> -> memref<1x4096xf32, #tpu.memory_space<hbm>>
      %dma_wait3A_127 = tpu.memref_squeeze %dma_wait3A_126 : memref<1x4096xf32, #tpu.memory_space<hbm>> -> memref<4096xf32, #tpu.memory_space<hbm>>
      %dma_wait3A_128 = arith.constant 8192 : i32
      %dma_wait3A_129 = tpu.memref_slice %arg4[%add3A_35, %dma_wait3A_128] : memref<832x16384xf32, #tpu.memory_space<hbm>> -> memref<1x4096xf32, #tpu.memory_space<hbm>>
      %dma_wait3A_130 = tpu.memref_squeeze %dma_wait3A_129 : memref<1x4096xf32, #tpu.memory_space<hbm>> -> memref<4096xf32, #tpu.memory_space<hbm>>
      tpu.wait_dma2 semaphore(%arg13 : memref<!tpu.dma_semaphore, #tpu.memory_space<semaphore_mem>>) src(%arg7 : memref<4096xf32, #tpu.memory_space<vmem>>) dst(%dma_wait3A_130 : memref<4096xf32, #tpu.memory_space<hbm>>)
      %dma_wait3A_131 = arith.constant 12288 : i32
      %dma_wait3A_132 = tpu.memref_slice %arg4[%add3A_35, %dma_wait3A_131] : memref<832x16384xf32, #tpu.memory_space<hbm>> -> memref<1x4096xf32, #tpu.memory_space<hbm>>
      %dma_wait3A_133 = tpu.memref_squeeze %dma_wait3A_132 : memref<1x4096xf32, #tpu.memory_space<hbm>> -> memref<4096xf32, #tpu.memory_space<hbm>>
      %dma_wait3A_134 = arith.constant 12288 : i32
      %dma_wait3A_135 = tpu.memref_slice %arg4[%add3A_35, %dma_wait3A_134] : memref<832x16384xf32, #tpu.memory_space<hbm>> -> memref<1x4096xf32, #tpu.memory_space<hbm>>
      %dma_wait3A_136 = tpu.memref_squeeze %dma_wait3A_135 : memref<1x4096xf32, #tpu.memory_space<hbm>> -> memref<4096xf32, #tpu.memory_space<hbm>>
      tpu.wait_dma2 semaphore(%arg14 : memref<!tpu.dma_semaphore, #tpu.memory_space<semaphore_mem>>) src(%arg8 : memref<4096xf32, #tpu.memory_space<vmem>>) dst(%dma_wait3A_136 : memref<4096xf32, #tpu.memory_space<hbm>>)
    }
    %scan3A_17 = arith.constant 26 : i32
    %add3A_18 = arith.constant 800 : i32
    %add3A_19 = arith.addi %add3A_18, %add3A : i32
    %dma_wait3A = arith.constant 0 : i32
    %dma_wait3A_20 = tpu.memref_slice %arg3[%add3A_19, %dma_wait3A] : memref<832x100000xf32, #tpu.memory_space<hbm>> -> memref<1x100000xf32, #tpu.memory_space<hbm>>
    %dma_wait3A_21 = tpu.memref_squeeze %dma_wait3A_20 : memref<1x100000xf32, #tpu.memory_space<hbm>> -> memref<100000xf32, #tpu.memory_space<hbm>>
    %dma_wait3A_22 = arith.constant 0 : i32
    %dma_wait3A_23 = tpu.memref_slice %arg3[%add3A_19, %dma_wait3A_22] : memref<832x100000xf32, #tpu.memory_space<hbm>> -> memref<1x100000xf32, #tpu.memory_space<hbm>>
    %dma_wait3A_24 = tpu.memref_squeeze %dma_wait3A_23 : memref<1x100000xf32, #tpu.memory_space<hbm>> -> memref<100000xf32, #tpu.memory_space<hbm>>
    tpu.wait_dma2 semaphore(%arg10 : memref<!tpu.dma_semaphore, #tpu.memory_space<semaphore_mem>>) src(%dma_wait3A_24 : memref<100000xf32, #tpu.memory_space<hbm>>) dst(%arg9 : memref<100000xf32, #tpu.memory_space<vmem>>)
    %dma_wait3A_25 = arith.constant 25 : i32
    %dma_wait3A_26 = arith.constant 0 : i32
    %dma_wait3A_27 = tpu.memref_slice %arg2[%dma_wait3A_25, %dma_wait3A_26] : memref<26x16384xi32, #tpu.memory_space<hbm>> -> memref<1x8192xi32, #tpu.memory_space<hbm>>
    %dma_wait3A_28 = tpu.memref_squeeze %dma_wait3A_27 : memref<1x8192xi32, #tpu.memory_space<hbm>> -> memref<8192xi32, #tpu.memory_space<hbm>>
    %dma_wait3A_29 = arith.constant 0 : i32
    %dma_wait3A_30 = tpu.memref_slice %arg2[%dma_wait3A_25, %dma_wait3A_29] : memref<26x16384xi32, #tpu.memory_space<hbm>> -> memref<1x8192xi32, #tpu.memory_space<hbm>>
    %dma_wait3A_31 = tpu.memref_squeeze %dma_wait3A_30 : memref<1x8192xi32, #tpu.memory_space<hbm>> -> memref<8192xi32, #tpu.memory_space<hbm>>
    tpu.wait_dma2 semaphore(%arg11 : memref<!tpu.dma_semaphore, #tpu.memory_space<semaphore_mem>>) src(%dma_wait3A_31 : memref<8192xi32, #tpu.memory_space<hbm>>) dst(%arg5 : memref<8192xi32, #tpu.memory_space<vmem>>)
    return
  }
}

module attributes {stable_mosaic.version = 14 : i64} {
  func.func @_mlp_body(%arg0: i32, %arg1: memref<832x2048xf32, #tpu.memory_space<vmem>>, %arg2: memref<256x832xf32, #tpu.memory_space<vmem>>, %arg3: memref<256xf32, #tpu.memory_space<vmem>>, %arg4: memref<128x256xf32, #tpu.memory_space<vmem>>, %arg5: memref<128xf32, #tpu.memory_space<vmem>>, %arg6: memref<128xf32, #tpu.memory_space<vmem>>, %arg7: memref<1xf32, #tpu.memory_space<vmem>>, %arg8: memref<2048xf32, #tpu.memory_space<vmem>>) attributes {dimension_semantics = [#tpu.dimension_semantics<parallel>], iteration_bounds = array<i64: 8>, scalar_prefetch = 0 : i64, scratch_operands = 0 : i64, tpu.core_type = #tpu.core_type<tc>, window_params = [{transform_indices = @transform_0, window_bounds = array<i64: 832, 2048>}, {pipeline_mode = #tpu.pipeline_mode<synchronous>, transform_indices = @transform_1, window_bounds = array<i64: 256, 832>}, {pipeline_mode = #tpu.pipeline_mode<synchronous>, transform_indices = @transform_2, window_bounds = array<i64: 256>}, {pipeline_mode = #tpu.pipeline_mode<synchronous>, transform_indices = @transform_3, window_bounds = array<i64: 128, 256>}, {pipeline_mode = #tpu.pipeline_mode<synchronous>, transform_indices = @transform_4, window_bounds = array<i64: 128>}, {pipeline_mode = #tpu.pipeline_mode<synchronous>, transform_indices = @transform_5, window_bounds = array<i64: 128>}, {pipeline_mode = #tpu.pipeline_mode<synchronous>, transform_indices = @transform_6, window_bounds = array<i64: 1>}, {transform_indices = @transform_7, window_bounds = array<i64: 2048>}]} {
    %get3A = arith.constant 0 : index
    %get3A_0 = arith.constant 0 : index
    %get3A_1 = vector.load %arg1[%get3A, %get3A_0] : memref<832x2048xf32, #tpu.memory_space<vmem>>, vector<832x2048xf32>
    %get3A_2 = arith.constant 0 : index
    %get3A_3 = arith.constant 0 : index
    %get3A_4 = vector.load %arg2[%get3A_2, %get3A_3] : memref<256x832xf32, #tpu.memory_space<vmem>>, vector<256x832xf32>
    %dot_general3A = arith.constant dense<0.000000e+00> : vector<256x2048xf32>
    %dot_general3A_5 = tpu.matmul %get3A_4, %get3A_1, %dot_general3A {dimension_numbers = #tpu.dot_dimension_numbers<[1], [0], [0], [1], [0, 0, 1, 1], [], []>, transpose_lhs_hint = false} : vector<256x832xf32>, vector<832x2048xf32>, vector<256x2048xf32> -> vector<256x2048xf32>
    %get3A_6 = arith.constant 0 : index
    %get3A_7 = vector.load %arg3[%get3A_6] : memref<256xf32, #tpu.memory_space<vmem>>, vector<256xf32>
    %broadcast_in_dim3A = vector.shape_cast %get3A_7 : vector<256xf32> to vector<256x1xf32>
    %add3A = vector.broadcast %broadcast_in_dim3A : vector<256x1xf32> to vector<256x2048xf32>
    %add3A_8 = arith.addf %dot_general3A_5, %add3A : vector<256x2048xf32>
    %max3A = arith.constant 0.000000e+00 : f32
    %max3A_9 = vector.broadcast %max3A : f32 to vector<256x2048xf32>
    %max3A_10 = arith.maximumf %add3A_8, %max3A_9 : vector<256x2048xf32>
    %get3A_11 = arith.constant 0 : index
    %get3A_12 = arith.constant 0 : index
    %get3A_13 = vector.load %arg4[%get3A_11, %get3A_12] : memref<128x256xf32, #tpu.memory_space<vmem>>, vector<128x256xf32>
    %dot_general3A_14 = arith.constant dense<0.000000e+00> : vector<128x2048xf32>
    %dot_general3A_15 = tpu.matmul %get3A_13, %max3A_10, %dot_general3A_14 {dimension_numbers = #tpu.dot_dimension_numbers<[1], [0], [0], [1], [0, 0, 1, 1], [], []>, transpose_lhs_hint = false} : vector<128x256xf32>, vector<256x2048xf32>, vector<128x2048xf32> -> vector<128x2048xf32>
    %get3A_16 = arith.constant 0 : index
    %get3A_17 = vector.load %arg5[%get3A_16] : memref<128xf32, #tpu.memory_space<vmem>>, vector<128xf32>
    %broadcast_in_dim3A_18 = vector.shape_cast %get3A_17 : vector<128xf32> to vector<128x1xf32>
    %add3A_19 = vector.broadcast %broadcast_in_dim3A_18 : vector<128x1xf32> to vector<128x2048xf32>
    %add3A_20 = arith.addf %dot_general3A_15, %add3A_19 : vector<128x2048xf32>
    %max3A_21 = arith.constant 0.000000e+00 : f32
    %max3A_22 = vector.broadcast %max3A_21 : f32 to vector<128x2048xf32>
    %max3A_23 = arith.maximumf %add3A_20, %max3A_22 : vector<128x2048xf32>
    %get3A_24 = arith.constant 0 : index
    %get3A_25 = vector.load %arg6[%get3A_24] : memref<128xf32, #tpu.memory_space<vmem>>, vector<128xf32>
    %broadcast_in_dim3A_26 = vector.shape_cast %get3A_25 : vector<128xf32> to vector<128x1xf32>
    %mul3A = vector.broadcast %broadcast_in_dim3A_26 : vector<128x1xf32> to vector<128x2048xf32>
    %mul3A_27 = arith.mulf %max3A_23, %mul3A : vector<128x2048xf32>
    %reduce_sum3A = arith.constant dense<0.000000e+00> : vector<2048xf32>
    %reduce_sum3A_28 = vector.multi_reduction <add>, %mul3A_27, %reduce_sum3A [0] : vector<128x2048xf32> to vector<2048xf32>
    %get3A_29 = arith.constant 0 : index
    %get3A_30 = vector.load %arg7[%get3A_29] : memref<1xf32, #tpu.memory_space<vmem>>, vector<1xf32>
    %add3A_31 = vector.broadcast %get3A_30 : vector<1xf32> to vector<2048xf32>
    %add3A_32 = arith.addf %reduce_sum3A_28, %add3A_31 : vector<2048xf32>
    %neg3A = arith.constant 0.000000e+00 : f32
    %neg3A_33 = vector.broadcast %neg3A : f32 to vector<2048xf32>
    %neg3A_34 = arith.subf %neg3A_33, %add3A_32 : vector<2048xf32>
    %exp3A = math.exp %neg3A_34 : vector<2048xf32>
    %add3A_35 = arith.constant 1.000000e+00 : f32
    %add3A_36 = vector.broadcast %add3A_35 : f32 to vector<2048xf32>
    %add3A_37 = arith.addf %add3A_36, %exp3A : vector<2048xf32>
    %div3A = arith.constant 1.000000e+00 : f32
    %div3A_38 = vector.broadcast %div3A : f32 to vector<2048xf32>
    %div3A_39 = arith.divf %div3A_38, %add3A_37 : vector<2048xf32>
    %swap3A = arith.constant 0 : index
    %swap3A_40 = vector.load %arg8[%swap3A] : memref<2048xf32, #tpu.memory_space<vmem>>, vector<2048xf32>
    tpu.vector_store %arg8[%swap3A], %div3A_39 {strides = array<i32>} : memref<2048xf32, #tpu.memory_space<vmem>>, vector<2048xf32>,
    return
  }
  func.func @transform_0(%arg0: i32) -> (i32, i32) {
    %c0_i32 = arith.constant 0 : i32
    %c0_i32_0 = arith.constant 0 : i32
    return %c0_i32, %arg0 : i32, i32
  }
  func.func @transform_1(%arg0: i32) -> (i32, i32) {
    %c0_i32 = arith.constant 0 : i32
    %c0_i32_0 = arith.constant 0 : i32
    %c0_i32_1 = arith.constant 0 : i32
    return %c0_i32, %c0_i32_0 : i32, i32
  }
  func.func @transform_2(%arg0: i32) -> i32 {
    %c0_i32 = arith.constant 0 : i32
    %c0_i32_0 = arith.constant 0 : i32
    return %c0_i32 : i32
  }
  func.func @transform_3(%arg0: i32) -> (i32, i32) {
    %c0_i32 = arith.constant 0 : i32
    %c0_i32_0 = arith.constant 0 : i32
    %c0_i32_1 = arith.constant 0 : i32
    return %c0_i32, %c0_i32_0 : i32, i32
  }
  func.func @transform_4(%arg0: i32) -> i32 {
    %c0_i32 = arith.constant 0 : i32
    %c0_i32_0 = arith.constant 0 : i32
    return %c0_i32 : i32
  }
  func.func @transform_5(%arg0: i32) -> i32 {
    %c0_i32 = arith.constant 0 : i32
    %c0_i32_0 = arith.constant 0 : i32
    return %c0_i32 : i32
  }
  func.func @transform_6(%arg0: i32) -> i32 {
    %c0_i32 = arith.constant 0 : i32
    %c0_i32_0 = arith.constant 0 : i32
    return %c0_i32 : i32
  }
  func.func @transform_7(%arg0: i32) -> i32 {
    %c0_i32 = arith.constant 0 : i32
    return %arg0 : i32
  }
}

</mosaic_0001>

<sc_bundles>
// kernel: kernel.4.cloned.1.call-start
scs
__scs_entry_jumppad:
0x0: {  	(pc) =	sbr.rel $0x88, $3  }
0x1: {  	(tag) =	ssettag $0x0;
	lr =	simm.s32 $0x1  }
0x2: {  	[smem:$0x3F99] =	sst lr;
	_ =	strace $0xD0000000  }
0x3: {  	_ = 	snop  }
0x4: {  	_ = 	snop  }
0x5: {  	_ = 	snop  }
0x6: {  	_ = 	snop  }
0x7: {  	_ = 	snop  }
__scs_overlays_trampoline_lowered:
0x8: {  	[smem:$0x3FA8] =	sst s0  }
0x9: {  	[smem:$0x3FA9] =	sst s1  }
0xa: {  	[smem:$0x3FAA] =	sst s2  }
0xb: {  	[smem:$0x3FAB] =	sst s3  }
0xc: {  	[smem:$0x3FAC] =	sst s4  }
0xd: {  	[smem:$0x3FAD] =	sst s5  }
0xe: {  	[smem:$0x3FAE] =	sst s6  }
0xf: {  	[smem:$0x3FAF] =	sst s7  }
0x10: {  	[smem:$0x3FB0] =	sst s8  }
0x11: {  	[smem:$0x3FB1] =	sst s9;
	s0 =	simm.s32 @!p0 $0x0  }
0x12: {  	s1 =	sld [smem:$0x3F97];
	s0 =	simm.s32 @p0 $0x1  }
0x13: {  	[smem:$0x3FB2] =	sst s0;
	s0 =	simm.s32 @!p1 $0x0  }
0x14: {  	s2 =	sld [smem:$0x3F96];
	s0 =	simm.s32 @p1 $0x1  }
0x15: {  	[smem:$0x3FB3] =	sst s0;
	s0 =	simm.s32 @!p2 $0x0  }
0x16: {  	s3 =	sld [smem:$0x3FDB];
	s0 =	simm.s32 @p2 $0x1  }
0x17: {  	s4 =	simm.s32 $0x1BF5;
	[smem:$0x3FB5] =	sst s0  }
0x18: {  	s0 =	sld [smem:$0x3F98];
	_ =	swait.ge [sflag:s4], $0x0  }
0x19: {  	s7 =	sld [smem:$0x3F99]  }
0x1a: {  	s8 =	sadd.s32 $0xFFFFE003, lr  }
0x1b: {  	s9 =	sadd.s32 $0xFFFFFEF7, lr;
	s5 =	simm.s32 $0xFFFFFFFF;
	p2 =	slt.u32 s8, $0xFFFFF086  }
0x1c: {  	p1 =	slt.u32 s9, $0xF7A;
	s5 =	simm.s32 @!p2 $0x0  }
0x1d: {  	s5 =	simm.s32 @p1 $0x1;
	p0 =	seq.s32 s7, s2  }
0x1e: {  	s7 =	smul.u32 @!p0 $0xF7A, s2;
	p2 =	seq.s32 @!p0 s5, $0x0  }
0x1f: {  	s9 =	smul.u32 $0xF7A, s1;
	s8 =	simm.s32 @!p0 $0x1BF5;
	p2 =	por !p2, p0  }
0x20: {  	[sflag:s8] =	ssyncset.s32 @!p0 $0xFFFFF086;
	s6 =	sadd.s32 @!p0 s3, s7;
	s7 =	simm.s32 @!p0 $0x108  }
0x21: {  	s3 =	sadd.s32 s3, s9;
	s6 =	sadd.s32 @!p0 $0x88, s6;
	s7 =	simm.s32 @p2 $0x1082  }
0x22: {  	[simem:s7], [sflag:s8] =	dma.local @!p0 [hbm:s6], $0xF7A  }
0x23: {  	s9 =	sor.u32 $0xD0000000, s2;
	s6 =	simm.s32 $0x108;
	_ =	swait.ge @!p0 [sflag:s8], $0x0  }
0x24: {  	s3 =	sadd.s32 $0x88, s3;
	s6 =	simm.s32 @!p1 $0x1082;
	[sflag:s4] =	ssyncset.s32 $0xFFFFF086  }
0x25: {  	[simem:s6], [sflag:s4] =	dma.local [hbm:s3], $0xF7A  }
0x26: {  	[smem:$0x3F99] =	sst s1;
	(tag) =	ssettag s2;
	_ =	strace s9  }
0x27: {  	s1 =	sld [smem:$0x3FA9]  }
0x28: {  	s2 =	sld [smem:$0x3FAA]  }
0x29: {  	s4 =	sld [smem:$0x3FAC]  }
0x2a: {  	p0 =	seq.s32 s5, $0x0;
	s5 =	sld [smem:$0x3FAD]  }
0x2b: {  	s6 =	sld [smem:$0x3FAE]  }
0x2c: {  	s7 =	sld [smem:$0x3FAF]  }
0x2d: {  	s3 =	simm.s32 $0x108;
	s8 =	sld [smem:$0x3FB0]  }
0x2e: {  	s3 =	simm.s32 @!p0 $0x1082;
	s9 =	sld [smem:$0x3FB1]  }
0x2f: {  	lr =	sadd.s32 s0, s3;
	s0 =	sld [smem:$0x3FA8]  }
0x30: {  	s3 =	sld [smem:$0x3FAB]  }
0x31: {  	[smem:$0x3FB4] =	sst s10  }
0x32: {  	s10 =	sld [smem:$0x3FB2];
	_ =	sdelay $0x3  }
0x33: {  	p0 =	seq.s32 s10, $0x1;
	s10 =	sld [smem:$0x3FB4];
	_ =	sdelay $0x3  }
0x34: {  	[smem:$0x3FB4] =	sst s10  }
0x35: {  	s10 =	sld [smem:$0x3FB3];
	_ =	sdelay $0x3  }
0x36: {  	p1 =	seq.s32 s10, $0x1;
	s10 =	sld [smem:$0x3FB4];
	_ =	sdelay $0x3  }
0x37: {  	[smem:$0x3FB4] =	sst s10  }
0x38: {  	s10 =	sld [smem:$0x3FB5]  }
0x39: {  	_ = 	snop;
	(pc) =	sbr.ind lr, $3  }
0x3a: {  	_ = 	snop  }
0x3b: {  	_ = 	snop  }
0x3c: {  	p2 =	seq.s32 s10, $0x1;
	s10 =	sld [smem:$0x3FB4]  }
0x3d: {  	_ =	shalt  }
0x3e: {  	_ =	shalt  }
0x3f: {  	_ =	shalt  }
0x40: {  	_ =	shalt  }
0x41: {  	_ =	shalt  }
0x42: {  	_ =	shalt  }
0x43: {  	_ =	shalt  }
0x44: {  	_ =	shalt  }
0x45: {  	_ =	shalt  }
0x46: {  	_ =	shalt  }
0x47: {  	_ =	shalt  }
0x48: {  	_ =	shalt  }
0x49: {  	_ =	shalt  }
0x4a: {  	_ =	shalt  }
0x4b: {  	_ =	shalt  }
0x4c: {  	_ =	shalt  }
0x4d: {  	_ =	shalt  }
0x4e: {  	_ =	shalt  }
0x4f: {  	_ =	shalt  }
0x50: {  	_ =	shalt  }
0x51: {  	_ =	shalt  }
0x52: {  	_ =	shalt  }
0x53: {  	_ =	shalt  }
0x54: {  	_ =	shalt  }
0x55: {  	_ =	shalt  }
0x56: {  	_ =	shalt  }
0x57: {  	_ =	shalt  }
0x58: {  	_ =	shalt  }
0x59: {  	_ =	shalt  }
0x5a: {  	_ =	shalt  }
0x5b: {  	_ =	shalt  }
0x5c: {  	_ =	shalt  }
0x5d: {  	_ =	shalt  }
0x5e: {  	_ =	shalt  }
0x5f: {  	_ =	shalt  }
0x60: {  	_ =	shalt  }
0x61: {  	_ =	shalt  }
0x62: {  	_ =	shalt  }
0x63: {  	_ =	shalt  }
0x64: {  	_ =	shalt  }
0x65: {  	_ =	shalt  }
0x66: {  	_ =	shalt  }
0x67: {  	_ =	shalt  }
0x68: {  	_ =	shalt  }
0x69: {  	_ =	shalt  }
0x6a: {  	_ =	shalt  }
0x6b: {  	_ =	shalt  }
0x6c: {  	_ =	shalt  }
0x6d: {  	_ =	shalt  }
0x6e: {  	_ =	shalt  }
0x6f: {  	_ =	shalt  }
0x70: {  	_ =	shalt  }
0x71: {  	_ =	shalt  }
0x72: {  	_ =	shalt  }
0x73: {  	_ =	shalt  }
0x74: {  	_ =	shalt  }
0x75: {  	_ =	shalt  }
0x76: {  	_ =	shalt  }
0x77: {  	_ =	shalt  }
0x78: {  	_ =	shalt  }
0x79: {  	_ =	shalt  }
0x7a: {  	_ =	shalt  }
0x7b: {  	_ =	shalt  }
0x7c: {  	_ =	shalt  }
0x7d: {  	_ =	shalt  }
0x7e: {  	_ =	shalt  }
0x7f: {  	_ =	shalt  }
0x80: {  	_ =	shalt  }
0x81: {  	_ =	shalt  }
0x82: {  	_ =	shalt  }
0x83: {  	_ =	shalt  }
0x84: {  	_ =	shalt  }
0x85: {  	_ =	shalt  }
0x86: {  	_ =	shalt  }
0x87: {  	_ =	shalt  }
.Lfunc_end0:
.L_simem_size_0:
called_computation_lowered:
.L_overlay_start_0:
0x88: {  	s2 =	sld [smem:$0x3FD9]  }
0x89: {  	s3 =	sld [smem:$0x3FFE];
	_ =	sdelay $0x1  }
0x8a: {  	s1 =	srdreg.scid  }
0x8b: {  	s0 =	sand.u32 $0x1, s1  }
0x8c: {  	s17 =	sshll.u32 s0, $0xA;
	s2 =	sadd.s32 s3, s2  }
0x8d: {  	s2 =	sadd.s32 s2, s17  }
0x8e: {  	[smem:$0x3FC0] =	sst s2  }
0x8f: {  	_ = 	snop  }
0x90: {  	s2 =	sld [smem:$0x3FC9]  }
0x91: {  	s18 =	sld [smem:$0x3FC8];
	(tm) =	ssettm $0x1  }
0x92: {  	s4 =	sld [smem:$0x3FFB];
	_ =	sdelay $0x3  }
0x93: {  	_ =	strace s4  }
0x94: {  	s4 =	sld [smem:$0x3FFC];
	_ =	sdelay $0x3  }
0x95: {  	_ =	strace s4  }
0x96: {  	s4 =	sld [smem:$0x3FFD];
	_ =	sdelay $0x3  }
0x97: {  	_ =	strace s4  }
0x98: {  	_ =	strace $0x8FFFFFFF  }
0x99: {  	s19 =	sld [smem:$0x3FDB];
	_ =	sdelay $0x1  }
0x9a: {  	s5 =	simm.s32 $_scs_section_size  }
0x9b: {  	s6 =	simm.s32 $_size__tile_overlayer_lowered;
	s7 =	simm.s32 $_tile_overlayer_lowered  }
0x9c: {  	s22 =	simm.s32 $0x1BFF;
	s21 =	sshll.u32 s7, $0x1;
	s4 =	sadd.s32 s5, s19  }
0x9d: {  	s8 =	simm.s32 $0x0;
	s20 =	sshll.u32 s6, $0x1;
	s6 =	sadd.s32 s21, s4  }
0x9e: {  	[timem:s8], [sflag:s22] =	dma.local [hbm:s6], s20  }
0x9f: {  	_ =	swait.ge [sflag:s22], s20  }
0xa0: {  	s5 =	ssub.s32 $0x0, s20;
	[sflag:s22] =	ssyncset.done $0x0  }
0xa1: {  	[sflag:s22] =	ssyncadd.s32 s5;
	_ =	sdelay $0x1  }
0xa2: {  	s23 =	simm.s32 $0x1B8B  }
0xa3: {  	_ =	swait.ge [sflag:s23], $0x1  }
0xa4: {  	[sflag:s23] =	ssyncset.done $0x0  }
0xa5: {  	s25 =	simm.s32 $0x1B8E;
	s24 =	sld [smem:$0x3FFE];
	[sflag:s23] =	ssyncadd.s32 $0xFFFFFFFF  }
0xa6: {  	s26 =	simm.s32 $execute0_lowered;
	[smem:$0x3FD2] =	sst s25  }
0xa7: {  	s6 =	sshll.u32 s26, $0x1;
	_ =	strace $0x80000046;
	[dreg:$0x1] =	wrdreg $0xFFFFFFFF  }
0xa8: {  	s28 =	simm.s32 $_size_execute0_lowered;
	s4 =	sadd.s32 s4, s6;
	[dreg:$0x0] =	wrdreg $0x0  }
0xa9: {  	s6 =	sshll.u32 s28, $0x1;
	[dreg:$0x2] =	wrdreg s4  }
0xaa: {  	[dreg:$0x3] =	wrdreg s6  }
0xab: {  	[dreg:$0x4] =	wrdreg $0xC0  }
0xac: {  	_ =	task [dreg:s8], $0x5FFFF  }
0xad: {  	[dreg:$0x1] =	wrdreg $0xFFFFFFFF  }
0xae: {  	[dreg:$0x0] =	wrdreg $0x60  }
0xaf: {  	[dreg:$0x2] =	wrdreg s2  }
0xb0: {  	[dreg:$0x3] =	wrdreg s18  }
0xb1: {  	[dreg:$0x4] =	wrdreg s24  }
0xb2: {  	[dreg:$0x5] =	wrdreg $0x9  }
0xb3: {  	_ =	task.clear_ibuf [dreg:s8], $0x6FFFF;
	_ =	strace $0x90000046  }
0xb4: {  	s29 =	simm.s32 $0x9;
	_ =	strace $0x80000048  }
0xb5: {  	_ =	swait.ge [sflag:s29], $0x1  }
0xb6: {  	[sflag:s29] =	ssyncadd.s32 $0xFFFFFFFF  }
0xb7: {  	_ =	strace $0x90000048  }
0xb8: {  	_ =	sfence  }
0xb9: {  	s30 =	sld [smem:$0x0];
	_ =	sdelay $0x2  }
0xba: {  	s31 =	sshll.u32 s1, $0xD;
	s1 =	sshrl.u32 s1, $0x2  }
0xbb: {  	s3 =	sand.u32 $0x4000, s31;
	s1 =	sadd.s32 s1, s30  }
0xbc: {  	s0 =	sor.u32 s3, s0;
	s1 =	sshll.u32 s1, $0x11  }
0xbd: {  	s0 =	sor.u32 s1, s0  }
0xbe: {  	s0 =	sadd.s32 $0x8F2B, s0  }
0xbf: {  	[sflag:s0] =	ssyncadd.remote.s32 $0x1  }
0xc0: {  	_ =	sfence.sel $0xFFFF  }
0xc1: {  	[dreg:$0x0] =	wrdreg $0xFFFFFFFF;
	(pc) =	sbr.abs _section_cstart, $3  }
0xc2: {  	[dreg:$0x1] =	wrdreg $0xFFFFFFFF  }
0xc3: {  	_ =	task.clear_ibuf [dreg:s8], $0x2FFFF;
	_ =	strace $0x9FFFFFFF  }
0xc4: {  	(tm) =	ssettm $0x7FFFFFFF  }
0xc5: {  	_ =	shalt  }
tec
execute0_lowered:
.L_overlay_start_1:
0x0: {  	(tag) =	ssettag $0x1  }
0x1: {  	s1 =	rddreg [dreg:$0x0]  }
0x2: {  	s3 =	rddreg [dreg:$0x1];
	s0 =	srdreg.scid  }
0x3: {  	s10 =	stileid.u32;
	s2 =	rddreg [dreg:$0x2]  }
0x4: {  	s5 =	simm.s32 $0x0;
	s15 =	simm.s32 $0x80;
	s16 =	simm.s32 $0x400  }
0x5: {  	s17 =	simm.s32 $0x6000;
	s18 =	simm.s32 $0x1;
	s19 =	simm.s32 $0x2  }
0x6: {  	s20 =	simm.s32 $0x2000;
	s21 =	simm.s32 $0x4000;
	s22 =	simm.s32 $0x5000  }
0x7: {  	s23 =	simm.s32 $0x3;
	s24 =	simm.s32 $0x4;
	s25 =	simm.s32 $0x5  }
0x8: {  	s26 =	simm.s32 $0x0;
	s0 =	sand.u32 $0x1, s0;
	s4 =	sshll.u32 s10, $0x1  }
0x9: {  	s7 =	sshrl.u32 s10, $0x2;
	[smem:$0x7FF] =	sst s5;
	s10 =	sshll.u32 s10, $0xF  }
0xa: {  	s11 =	sadd.s32 $0x1E00, s2;
	s12 =	sadd.s32 $0x2E00, s2;
	s6 =	sor.u32 s0, s4  }
0xb: {  	s13 =	sadd.s32 $0x3E00, s2;
	s7 =	smul.u32 $0xC3800, s7;
	s6 =	sshll.u32 s6, $0x7  }
0xc: {  	_ =	strace $0x80000047;
	s0 =	ssub.s32 $0x2, s0;
	s6 =	sand.u32 $0x380, s6  }
0xd: {  	s10 =	sand.u32 $0x60000, s10;
	s9 =	sshrl.u32 s0, $0x1;
	s8 =	sor.u32 s7, s6  }
0xe: {  	s0 =	ssub.s32 s0, s9;
	s9 =	sadd.s32 $0x2000, s1;
	s8 =	sshrl.u32 s8, $0x3  }
0xf: {  	s7 =	sadd.s32 $0xE00, s2;
	s14 =	smax.u32 s0, $0x1;
	s8 =	sadd.s32 s3, s8  }
.LBB2_1:
0x10: {  	[tilespmem:s17], [sflag:$0x1] =	stream.strided.gather [hbm4b:s8+s15], $0x18700, s16, s15, $0x38;
	[tilespmem:$0x1E700] =	vst v63  }
0x11: {  	s28 =	simm.s32 $0x0  }
0x12: {  	[tilespmem:s5], [sflag:$0x2] =	stream.strided.gather [hbm4b:s1+s15], $0x2000, s16, s15, $0x38;
	[tilespmem:$0x1E700] =	vst v63  }
.LBB2_2:
0x13: {  	_ =	swait.ge [sflag:s18], $0x18700  }
0x14: {  	[sflag:s18] =	ssyncset.done $0x0  }
0x15: {  	s0 =	sshll.u32 s28, $0xB;
	s2 =	sshll.u32 s28, $0x4;
	[sflag:s18] =	ssyncadd.s32 $0xFFFE7900  }
0x16: {  	s0 =	sand.u32 $0xC000, s0;
	s2 =	sand.u32 $0x70, s2;
	_ =	swait.ge [sflag:s19], $0x2000  }
0x17: {  	s0 =	sor.u32 s2, s0;
	[sflag:s19] =	ssyncset.done $0x0  }
0x18: {  	s31 =	simm.s32 $0x40;
	s0 =	sadd.s32 s0, s9;
	[sflag:s19] =	ssyncadd.s32 $0xFFFFE000  }
0x19: {  	[tilespmem:s20], [sflag:$0x3] =	stream.strided.gather [hbm4b:s0+s15], $0x2000, s16, s15, $0x38;
	[tilespmem:$0x1E700] =	vst v63  }
0x1a: {  	v0 =	vld [tilespmem:s31+$0x30]  }
0x1b: {  	v1 =	vld [tilespmem:s31+$0xFFFFFFD0]  }
0x1c: {  	v2 =	vld [tilespmem:s31+$0xFFFFFFE0]  }
0x1d: {  	v3 =	vld [tilespmem:s31+$0xFFFFFFF0]  }
0x1e: {  	v6 =	vld [tilespmem:s31+$0x0]  }
0x1f: {  	v7 =	vld [tilespmem:s31+$0x10]  }
0x20: {  	v8 =	vld [tilespmem:s31+$0x20]  }
0x21: {  	v9 =	vld [tilespmem:s31+$0xFFFFFFC0]  }
0x22: {  	v10 =	vld.idx.msk [tilespmem:v0+s17+$0x0], $0xffff  }
0x23: {  	v11 =	vld.idx.msk [tilespmem:v1+s17+$0x0], $0xffff  }
0x24: {  	v5 =	vld.idx.msk [tilespmem:v2+s17+$0x0], $0xffff  }
0x25: {  	v4 =	vld.idx.msk [tilespmem:v3+s17+$0x0], $0xffff  }
0x26: {  	v3 =	vld.idx.msk [tilespmem:v6+s17+$0x0], $0xffff  }
0x27: {  	s30 =	simm.s32 $0x4040;
	v1 =	vld.idx.msk [tilespmem:v7+s17+$0x0], $0xffff  }
0x28: {  	v0 =	vld.idx.msk [tilespmem:v8+s17+$0x0], $0xffff;
	[tilespmem:s30+$0x30] =	vst v10  }
0x29: {  	s29 =	simm.s32 $0x0;
	s2 =	simm.s32 $0xC0;
	v2 =	vld.idx.msk [tilespmem:v9+s17+$0x0], $0xffff;
	[tilespmem:s30+$0xFFFFFFD0] =	vst v11  }
.LBB2_3:
0x2a: {  	v6 =	vld [tilespmem:s2+$0x30];
	s29 =	sadd.s32 $0x8, s29;
	[tilespmem:s30+$0xFFFFFFE0] =	vst v5  }
0x2b: {  	v5 =	vld [tilespmem:s2+$0xFFFFFFD0];
	p0 =	slt.u32 s29, $0xF8;
	[tilespmem:s30+$0xFFFFFFF0] =	vst v4  }
0x2c: {  	v4 =	vld [tilespmem:s2+$0xFFFFFFE0];
	[tilespmem:s30+$0x0] =	vst v3  }
0x2d: {  	v3 =	vld [tilespmem:s2+$0xFFFFFFF0];
	[tilespmem:s30+$0x10] =	vst v1  }
0x2e: {  	v1 =	vld [tilespmem:s2+$0x0];
	[tilespmem:s30+$0x20] =	vst v0  }
0x2f: {  	v0 =	vld [tilespmem:s2+$0x10];
	[tilespmem:s30+$0xFFFFFFC0] =	vst v2  }
0x30: {  	v2 =	vld [tilespmem:s2+$0x20]  }
0x31: {  	v7 =	vld [tilespmem:s2+$0xFFFFFFC0]  }
0x32: {  	v6 =	vld.idx.msk [tilespmem:v6+s17+$0x0], $0xffff  }
0x33: {  	v8 =	vld.idx.msk [tilespmem:v5+s17+$0x0], $0xffff  }
0x34: {  	v5 =	vld.idx.msk [tilespmem:v4+s17+$0x0], $0xffff  }
.Ltmp0:
0x35: {  	v4 =	vld.idx.msk [tilespmem:v3+s17+$0x0], $0xffff;
	(pc) =	sbr.rel @p0 .LBB2_3-.Ltmp0, $4  }
0x36: {  	v3 =	vld.idx.msk [tilespmem:v1+s17+$0x0], $0xffff  }
0x37: {  	s30 =	sadd.s32 $0x80, s30;
	v1 =	vld.idx.msk [tilespmem:v0+s17+$0x0], $0xffff  }
0x38: {  	v0 =	vld.idx.msk [tilespmem:v2+s17+$0x0], $0xffff;
	[tilespmem:s30+$0x30] =	vst v6  }
0x39: {  	s2 =	sadd.s32 $0x80, s2;
	v2 =	vld.idx.msk [tilespmem:v7+s17+$0x0], $0xffff;
	[tilespmem:s30+$0xFFFFFFD0] =	vst v8  }
0x3a: {  	[tilespmem:s30+$0xFFFFFFE0] =	vst v5  }
0x3b: {  	[tilespmem:s30+$0xFFFFFFF0] =	vst v4;
	s0 =	sshll.u32 s28, $0x13  }
0x3c: {  	[tilespmem:s30+$0x0] =	vst v3;
	s0 =	sor.u32 s0, s10  }
0x3d: {  	[tilespmem:s30+$0x10] =	vst v1;
	s0 =	sor.u32 s6, s0  }
0x3e: {  	[tilespmem:s30+$0x20] =	vst v0;
	s29 =	sshrl.u32 s0, $0x3  }
0x3f: {  	s2 =	simm.s32 $0x1070;
	[tilespmem:s30+$0xFFFFFFC0] =	vst v2;
	s0 =	sadd.s32 s7, s29  }
0x40: {  	[hbm4b:s0+s15] =	stream.strided.scatter [tilespmem:s21], [sflag:$0x4], $0x1000, s16, s15, $0x38;
	[tilespmem:$0x1E700] =	vst v63  }
0x41: {  	v0 =	vld [tilespmem:s2+$0x0]  }
0x42: {  	v1 =	vld [tilespmem:s2+$0xFFFFFFA0]  }
0x43: {  	v2 =	vld [tilespmem:s2+$0xFFFFFFB0]  }
0x44: {  	v3 =	vld [tilespmem:s2+$0xFFFFFFC0]  }
0x45: {  	v4 =	vld [tilespmem:s2+$0xFFFFFFD0]  }
0x46: {  	v6 =	vld [tilespmem:s2+$0xFFFFFFE0]  }
0x47: {  	v7 =	vld [tilespmem:s2+$0xFFFFFFF0]  }
0x48: {  	v8 =	vld [tilespmem:s2+$0xFFFFFF90]  }
0x49: {  	v9 =	vld.idx.msk [tilespmem:v0+s17+$0x0], $0xffff  }
0x4a: {  	v10 =	vld.idx.msk [tilespmem:v1+s17+$0x0], $0xffff  }
0x4b: {  	v5 =	vld.idx.msk [tilespmem:v2+s17+$0x0], $0xffff  }
0x4c: {  	v3 =	vld.idx.msk [tilespmem:v3+s17+$0x0], $0xffff  }
0x4d: {  	v0 =	vld.idx.msk [tilespmem:v4+s17+$0x0], $0xffff  }
0x4e: {  	s30 =	simm.s32 $0x5040;
	v1 =	vld.idx.msk [tilespmem:v6+s17+$0x0], $0xffff  }
0x4f: {  	v2 =	vld.idx.msk [tilespmem:v7+s17+$0x0], $0xffff;
	[tilespmem:s30+$0x30] =	vst v9  }
0x50: {  	s31 =	simm.s32 $0x0;
	s2 =	simm.s32 $0x10F0;
	v4 =	vld.idx.msk [tilespmem:v8+s17+$0x0], $0xffff;
	[tilespmem:s30+$0xFFFFFFD0] =	vst v10  }
.LBB2_5:
0x51: {  	v6 =	vld [tilespmem:s2+$0x0];
	s31 =	sadd.s32 $0x8, s31;
	[tilespmem:s30+$0xFFFFFFE0] =	vst v5  }
0x52: {  	v5 =	vld [tilespmem:s2+$0xFFFFFFA0];
	p0 =	slt.u32 s31, $0xF8;
	[tilespmem:s30+$0xFFFFFFF0] =	vst v3  }
0x53: {  	v3 =	vld [tilespmem:s2+$0xFFFFFFB0];
	[tilespmem:s30+$0x0] =	vst v0  }
0x54: {  	v0 =	vld [tilespmem:s2+$0xFFFFFFC0];
	[tilespmem:s30+$0x10] =	vst v1  }
0x55: {  	v1 =	vld [tilespmem:s2+$0xFFFFFFD0];
	[tilespmem:s30+$0x20] =	vst v2  }
0x56: {  	v2 =	vld [tilespmem:s2+$0xFFFFFFE0];
	[tilespmem:s30+$0xFFFFFFC0] =	vst v4  }
0x57: {  	v4 =	vld [tilespmem:s2+$0xFFFFFFF0]  }
0x58: {  	v7 =	vld [tilespmem:s2+$0xFFFFFF90]  }
0x59: {  	v6 =	vld.idx.msk [tilespmem:v6+s17+$0x0], $0xffff  }
0x5a: {  	v8 =	vld.idx.msk [tilespmem:v5+s17+$0x0], $0xffff  }
0x5b: {  	v5 =	vld.idx.msk [tilespmem:v3+s17+$0x0], $0xffff  }
.Ltmp1:
0x5c: {  	v3 =	vld.idx.msk [tilespmem:v0+s17+$0x0], $0xffff;
	(pc) =	sbr.rel @p0 .LBB2_5-.Ltmp1, $4  }
0x5d: {  	v0 =	vld.idx.msk [tilespmem:v1+s17+$0x0], $0xffff  }
0x5e: {  	s30 =	sadd.s32 $0x80, s30;
	v1 =	vld.idx.msk [tilespmem:v2+s17+$0x0], $0xffff  }
0x5f: {  	v2 =	vld.idx.msk [tilespmem:v4+s17+$0x0], $0xffff;
	[tilespmem:s30+$0x30] =	vst v6  }
0x60: {  	s2 =	sadd.s32 $0x80, s2;
	v4 =	vld.idx.msk [tilespmem:v7+s17+$0x0], $0xffff;
	[tilespmem:s30+$0xFFFFFFD0] =	vst v8  }
0x61: {  	[tilespmem:s30+$0xFFFFFFE0] =	vst v5  }
0x62: {  	[tilespmem:s30+$0xFFFFFFF0] =	vst v3  }
0x63: {  	[tilespmem:s30+$0x0] =	vst v0  }
0x64: {  	[tilespmem:s30+$0x10] =	vst v1  }
0x65: {  	s28 =	sadd.s32 $0x1, s28;
	[tilespmem:s30+$0x20] =	vst v2  }
0x66: {  	s0 =	sadd.s32 s29, s11;
	[tilespmem:s30+$0xFFFFFFC0] =	vst v4;
	s30 =	smin.u32 s28, $0x19  }
0x67: {  	[hbm4b:s0+s15] =	stream.strided.scatter [tilespmem:s22], [sflag:$0x5], $0x1000, s16, s15, $0x38;
	[tilespmem:$0x1E700] =	vst v63  }
0x68: {  	s0 =	sshll.u32 s30, $0x4  }
0x69: {  	s2 =	sshll.u32 s30, $0xB;
	s0 =	sand.u32 $0x70, s0  }
0x6a: {  	s2 =	sand.u32 $0xC000, s2;
	s0 =	sadd.s32 s1, s0  }
0x6b: {  	s0 =	sadd.s32 s2, s0  }
0x6c: {  	[tilespmem:s5], [sflag:$0x2] =	stream.strided.gather [hbm4b:s0+s15], $0x2000, s16, s15, $0x38;
	[tilespmem:$0x1E700] =	vst v63  }
0x6d: {  	_ =	swait.ge [sflag:s23], $0x2000  }
0x6e: {  	[sflag:s23] =	ssyncset.done $0x0  }
0x6f: {  	[sflag:s23] =	ssyncadd.s32 $0xFFFFE000  }
0x70: {  	_ =	swait.ge [sflag:s24], $0x1000  }
0x71: {  	[sflag:s24] =	ssyncset.done $0x0  }
0x72: {  	s2 =	simm.s32 $0x2040;
	[sflag:s24] =	ssyncadd.s32 $0xFFFFF000  }
0x73: {  	v0 =	vld [tilespmem:s2+$0x30]  }
0x74: {  	v1 =	vld [tilespmem:s2+$0xFFFFFFD0]  }
0x75: {  	v2 =	vld [tilespmem:s2+$0xFFFFFFE0]  }
0x76: {  	v3 =	vld [tilespmem:s2+$0xFFFFFFF0]  }
0x77: {  	v4 =	vld [tilespmem:s2+$0x0]  }
0x78: {  	v6 =	vld [tilespmem:s2+$0x10]  }
0x79: {  	v7 =	vld [tilespmem:s2+$0x20]  }
0x7a: {  	v8 =	vld [tilespmem:s2+$0xFFFFFFC0]  }
0x7b: {  	v9 =	vld.idx.msk [tilespmem:v0+s17+$0x0], $0xffff  }
0x7c: {  	v10 =	vld.idx.msk [tilespmem:v1+s17+$0x0], $0xffff  }
0x7d: {  	v5 =	vld.idx.msk [tilespmem:v2+s17+$0x0], $0xffff  }
0x7e: {  	v3 =	vld.idx.msk [tilespmem:v3+s17+$0x0], $0xffff  }
0x7f: {  	v0 =	vld.idx.msk [tilespmem:v4+s17+$0x0], $0xffff  }
0x80: {  	s31 =	simm.s32 $0x4040;
	v1 =	vld.idx.msk [tilespmem:v6+s17+$0x0], $0xffff  }
0x81: {  	v2 =	vld.idx.msk [tilespmem:v7+s17+$0x0], $0xffff;
	[tilespmem:s31+$0x30] =	vst v9  }
0x82: {  	s0 =	simm.s32 $0x20C0;
	s2 =	simm.s32 $0x0;
	v4 =	vld.idx.msk [tilespmem:v8+s17+$0x0], $0xffff;
	[tilespmem:s31+$0xFFFFFFD0] =	vst v10  }
.LBB2_7:
0x83: {  	v6 =	vld [tilespmem:s0+$0x30];
	s2 =	sadd.s32 $0x8, s2;
	[tilespmem:s31+$0xFFFFFFE0] =	vst v5  }
0x84: {  	v5 =	vld [tilespmem:s0+$0xFFFFFFD0];
	p0 =	slt.u32 s2, $0xF8;
	[tilespmem:s31+$0xFFFFFFF0] =	vst v3  }
0x85: {  	v3 =	vld [tilespmem:s0+$0xFFFFFFE0];
	[tilespmem:s31+$0x0] =	vst v0  }
0x86: {  	v0 =	vld [tilespmem:s0+$0xFFFFFFF0];
	[tilespmem:s31+$0x10] =	vst v1  }
0x87: {  	v1 =	vld [tilespmem:s0+$0x0];
	[tilespmem:s31+$0x20] =	vst v2  }
0x88: {  	v2 =	vld [tilespmem:s0+$0x10];
	[tilespmem:s31+$0xFFFFFFC0] =	vst v4  }
0x89: {  	v4 =	vld [tilespmem:s0+$0x20]  }
0x8a: {  	v7 =	vld [tilespmem:s0+$0xFFFFFFC0]  }
0x8b: {  	v6 =	vld.idx.msk [tilespmem:v6+s17+$0x0], $0xffff  }
0x8c: {  	v8 =	vld.idx.msk [tilespmem:v5+s17+$0x0], $0xffff  }
0x8d: {  	v5 =	vld.idx.msk [tilespmem:v3+s17+$0x0], $0xffff  }
.Ltmp2:
0x8e: {  	v3 =	vld.idx.msk [tilespmem:v0+s17+$0x0], $0xffff;
	(pc) =	sbr.rel @p0 .LBB2_7-.Ltmp2, $4  }
0x8f: {  	v0 =	vld.idx.msk [tilespmem:v1+s17+$0x0], $0xffff  }
0x90: {  	s31 =	sadd.s32 $0x80, s31;
	v1 =	vld.idx.msk [tilespmem:v2+s17+$0x0], $0xffff  }
0x91: {  	v2 =	vld.idx.msk [tilespmem:v4+s17+$0x0], $0xffff;
	[tilespmem:s31+$0x30] =	vst v6  }
0x92: {  	s0 =	sadd.s32 $0x80, s0;
	v4 =	vld.idx.msk [tilespmem:v7+s17+$0x0], $0xffff;
	[tilespmem:s31+$0xFFFFFFD0] =	vst v8  }
0x93: {  	[tilespmem:s31+$0xFFFFFFE0] =	vst v5  }
0x94: {  	[tilespmem:s31+$0xFFFFFFF0] =	vst v3  }
0x95: {  	[tilespmem:s31+$0x0] =	vst v0  }
0x96: {  	[tilespmem:s31+$0x10] =	vst v1  }
0x97: {  	[tilespmem:s31+$0x20] =	vst v2  }
0x98: {  	s0 =	sadd.s32 s29, s12;
	[tilespmem:s31+$0xFFFFFFC0] =	vst v4  }
0x99: {  	[hbm4b:s0+s15] =	stream.strided.scatter [tilespmem:s21], [sflag:$0x4], $0x1000, s16, s15, $0x38;
	[tilespmem:$0x1E700] =	vst v63  }
0x9a: {  	_ =	swait.ge [sflag:s25], $0x1000  }
0x9b: {  	[sflag:s25] =	ssyncset.done $0x0  }
0x9c: {  	s2 =	simm.s32 $0x3070;
	[sflag:s25] =	ssyncadd.s32 $0xFFFFF000  }
0x9d: {  	v0 =	vld [tilespmem:s2+$0x0]  }
0x9e: {  	v1 =	vld [tilespmem:s2+$0xFFFFFFA0]  }
0x9f: {  	v2 =	vld [tilespmem:s2+$0xFFFFFFB0]  }
0xa0: {  	v3 =	vld [tilespmem:s2+$0xFFFFFFC0]  }
0xa1: {  	v6 =	vld [tilespmem:s2+$0xFFFFFFD0]  }
0xa2: {  	v7 =	vld [tilespmem:s2+$0xFFFFFFE0]  }
0xa3: {  	v8 =	vld [tilespmem:s2+$0xFFFFFFF0]  }
0xa4: {  	v9 =	vld [tilespmem:s2+$0xFFFFFF90]  }
0xa5: {  	v10 =	vld.idx.msk [tilespmem:v0+s17+$0x0], $0xffff  }
0xa6: {  	v11 =	vld.idx.msk [tilespmem:v1+s17+$0x0], $0xffff  }
0xa7: {  	v5 =	vld.idx.msk [tilespmem:v2+s17+$0x0], $0xffff  }
0xa8: {  	v4 =	vld.idx.msk [tilespmem:v3+s17+$0x0], $0xffff  }
0xa9: {  	v3 =	vld.idx.msk [tilespmem:v6+s17+$0x0], $0xffff  }
0xaa: {  	s31 =	simm.s32 $0x5040;
	v1 =	vld.idx.msk [tilespmem:v7+s17+$0x0], $0xffff  }
0xab: {  	v0 =	vld.idx.msk [tilespmem:v8+s17+$0x0], $0xffff;
	[tilespmem:s31+$0x30] =	vst v10  }
0xac: {  	s0 =	simm.s32 $0x30F0;
	s2 =	simm.s32 $0x0;
	v2 =	vld.idx.msk [tilespmem:v9+s17+$0x0], $0xffff;
	[tilespmem:s31+$0xFFFFFFD0] =	vst v11  }
.LBB2_9:
0xad: {  	v6 =	vld [tilespmem:s0+$0x0];
	s2 =	sadd.s32 $0x8, s2;
	[tilespmem:s31+$0xFFFFFFE0] =	vst v5  }
0xae: {  	v5 =	vld [tilespmem:s0+$0xFFFFFFA0];
	p0 =	slt.u32 s2, $0xF8;
	[tilespmem:s31+$0xFFFFFFF0] =	vst v4  }
0xaf: {  	v4 =	vld [tilespmem:s0+$0xFFFFFFB0];
	[tilespmem:s31+$0x0] =	vst v3  }
0xb0: {  	v3 =	vld [tilespmem:s0+$0xFFFFFFC0];
	[tilespmem:s31+$0x10] =	vst v1  }
0xb1: {  	v1 =	vld [tilespmem:s0+$0xFFFFFFD0];
	[tilespmem:s31+$0x20] =	vst v0  }
0xb2: {  	v0 =	vld [tilespmem:s0+$0xFFFFFFE0];
	[tilespmem:s31+$0xFFFFFFC0] =	vst v2  }
0xb3: {  	v2 =	vld [tilespmem:s0+$0xFFFFFFF0]  }
0xb4: {  	v7 =	vld [tilespmem:s0+$0xFFFFFF90]  }
0xb5: {  	v6 =	vld.idx.msk [tilespmem:v6+s17+$0x0], $0xffff  }
0xb6: {  	v8 =	vld.idx.msk [tilespmem:v5+s17+$0x0], $0xffff  }
0xb7: {  	v5 =	vld.idx.msk [tilespmem:v4+s17+$0x0], $0xffff  }
.Ltmp3:
0xb8: {  	v4 =	vld.idx.msk [tilespmem:v3+s17+$0x0], $0xffff;
	(pc) =	sbr.rel @p0 .LBB2_9-.Ltmp3, $4  }
0xb9: {  	v3 =	vld.idx.msk [tilespmem:v1+s17+$0x0], $0xffff  }
0xba: {  	s31 =	sadd.s32 $0x80, s31;
	v1 =	vld.idx.msk [tilespmem:v0+s17+$0x0], $0xffff  }
0xbb: {  	v0 =	vld.idx.msk [tilespmem:v2+s17+$0x0], $0xffff;
	[tilespmem:s31+$0x30] =	vst v6  }
0xbc: {  	s0 =	sadd.s32 $0x80, s0;
	v2 =	vld.idx.msk [tilespmem:v7+s17+$0x0], $0xffff;
	[tilespmem:s31+$0xFFFFFFD0] =	vst v8  }
0xbd: {  	[tilespmem:s31+$0xFFFFFFE0] =	vst v5  }
0xbe: {  	[tilespmem:s31+$0xFFFFFFF0] =	vst v4  }
0xbf: {  	s0 =	sshll.u32 s30, $0x5;
	[tilespmem:s31+$0x0] =	vst v3  }
0xc0: {  	s0 =	sor.u32 s4, s0;
	[tilespmem:s31+$0x10] =	vst v1  }
0xc1: {  	s0 =	sshrl.u32 s0, $0x3;
	[tilespmem:s31+$0x20] =	vst v0  }
0xc2: {  	s2 =	sadd.s32 s29, s13;
	s0 =	smul.u32 $0xC3800, s0;
	[tilespmem:s31+$0xFFFFFFC0] =	vst v2  }
0xc3: {  	[hbm4b:s2+s15] =	stream.strided.scatter [tilespmem:s22], [sflag:$0x5], $0x1000, s16, s15, $0x38;
	[tilespmem:$0x1E700] =	vst v63  }
0xc4: {  	s0 =	sor.u32 s6, s0  }
0xc5: {  	s0 =	sshrl.u32 s0, $0x3  }
0xc6: {  	s0 =	sadd.s32 s3, s0  }
0xc7: {  	[tilespmem:s17], [sflag:$0x1] =	stream.strided.gather [hbm4b:s0+s15], $0x18700, s16, s15, $0x38;
	[tilespmem:$0x1E700] =	vst v63  }
0xc8: {  	p0 =	sne.s32 s28, $0x1A;
	_ =	swait.ge [sflag:s24], $0x1000  }
.Ltmp4:
0xc9: {  	[sflag:s24] =	ssyncset.done $0x0;
	(pc) =	sbr.rel @p0 .LBB2_2-.Ltmp4, $4  }
0xca: {  	[sflag:s24] =	ssyncadd.s32 $0xFFFFF000  }
0xcb: {  	_ =	swait.ge [sflag:s25], $0x1000  }
0xcc: {  	[sflag:s25] =	ssyncset.done $0x0  }
0xcd: {  	[sflag:s25] =	ssyncadd.s32 $0xFFFFF000  }
0xce: {  	s26 =	sadd.s32 $0x1, s26  }
0xcf: {  	_ =	swait.ge [sflag:s18], $0x18700;
	p0 =	sne.s32 s26, s14  }
.Ltmp5:
0xd0: {  	[sflag:s18] =	ssyncset.done $0x0;
	(pc) =	sbr.rel @p0 .LBB2_1-.Ltmp5, $4  }
0xd1: {  	[sflag:s18] =	ssyncadd.s32 $0xFFFE7900  }
0xd2: {  	_ =	swait.ge [sflag:s19], $0x2000  }
0xd3: {  	[sflag:s19] =	ssyncset.done $0x0  }
0xd4: {  	[sflag:s19] =	ssyncadd.s32 $0xFFFFE000  }
0xd5: {  	_ =	sfence.sel $0x180000  }
0xd6: {  	[bflag:$0x0] =	sbarrier.arrive $0xFFFF  }
0xd7: {  	_ =	strace $0x90000047  }
0xd8: {  	s0 =	stileid.u32;
	[bflag:$0x2] =	sbarrier.arrive $0xFFFF  }
0xd9: {  	p0 =	sne.s32 s0, $0x0;
	s0 =	rddreg [dreg:$0x3]  }
0xda: {  	s0 =	sadd.s32 @!p0 $0x100000, s0  }
0xdb: {  	[sflag:s0] =	ssyncadd.tile.s32 @!p0 $0x1;
	_ =	shalt  }
.Lfunc_end2:
_tile_overlayer_lowered:
.L_overlay_start_2:
0xdc: {  	(tag) =	ssettag $0x2  }
0xdd: {  	s0 =	rddreg [dreg:$0x0];
	s2 =	stileid.u32  }
0xde: {  	s1 =	rddreg [dreg:$0x1];
	p0 =	sne.s32 s2, $0x0  }
0xdf: {  	s3 =	rddreg [dreg:$0x2];
	[bflag:$0x3] =	sbarrier.arrive $0xFFFF;
	s2 =	simm.s32 @!p0 $0x1C06  }
0xe0: {  	[timem:s3], [sflag:s2] =	dma.local @!p0 [hbm:s0], s1  }
0xe1: {  	s0 =	simm.s32 @!p0 $0x6  }
0xe2: {  	_ =	swait.ge @!p0 [sflag:s0], s1  }
0xe3: {  	s1 =	ssub.s32 @!p0 $0x0, s1;
	[sflag:s0] =	ssyncset.done @!p0 $0x0  }
0xe4: {  	[sflag:s0] =	ssyncadd.s32 @!p0 s1  }
0xe5: {  	[bflag:$0x3] =	sbarrier.arrive $0xFFFF  }
0xe6: {  	_ =	shalt  }

</sc_bundles>
